<compile_context>
chip_gen: v7x
topology: tpu7x:2x2x1
jax: 0.10.2.dev20260603
libtpu: 0.0.44.dev20260713+nightly
codegen_flags: <defaults>
</compile_context>

<pallas_src>
import jax
import jax.numpy as jnp
from jax import lax
from jax.experimental import pallas as pl
from jax.experimental.pallas import tpu as pltpu
from jax.experimental.pallas import tpu_sc as plsc

N_ROWS = 10000
N_COLS = 128
NW = 32
CHUNK = 312
SUB = CHUNK // 3
TAIL = N_ROWS - NW * CHUNK


def _copy_body(emb_hbm, out_hbm, buf, tail_buf, sem_in, sem_out):
    wid = lax.axis_index("s") * 2 + lax.axis_index("c")
    base = wid * CHUNK
    in0 = pltpu.async_copy(
        emb_hbm.at[pl.ds(base, SUB)], buf.at[0], sem_in
    )
    in1 = pltpu.async_copy(
        emb_hbm.at[pl.ds(base + SUB, SUB)], buf.at[1], sem_in
    )
    in2 = pltpu.async_copy(
        emb_hbm.at[pl.ds(base + 2 * SUB, SUB)], buf.at[2], sem_in
    )
    in0.wait()
    out0 = pltpu.async_copy(buf.at[0], out_hbm.at[pl.ds(base, SUB)], sem_out)
    in1.wait()
    out1 = pltpu.async_copy(buf.at[1], out_hbm.at[pl.ds(base + SUB, SUB)], sem_out)
    in2.wait()
    out2 = pltpu.async_copy(buf.at[2], out_hbm.at[pl.ds(base + 2 * SUB, SUB)], sem_out)

    @pl.when(wid == 0)
    def _tail():
        pltpu.sync_copy(emb_hbm.at[pl.ds(NW * CHUNK, TAIL)], tail_buf)
        pltpu.sync_copy(tail_buf, out_hbm.at[pl.ds(NW * CHUNK, TAIL)])

    out0.wait()
    out1.wait()
    out2.wait()


def kernel(data, edge_index, embeddings):
    f = pl.kernel(
        _copy_body,
        out_type=jax.ShapeDtypeStruct((N_ROWS, N_COLS), jnp.float32),
        mesh=plsc.VectorSubcoreMesh(core_axis_name="c", subcore_axis_name="s"),
        scratch_types=[
            pltpu.VMEM((3, SUB, N_COLS), jnp.float32),
            pltpu.VMEM((TAIL, N_COLS), jnp.float32),
            pltpu.SemaphoreType.DMA,
            pltpu.SemaphoreType.DMA,
        ],
    )
    return f(embeddings)

# --- scband reference (transcript-rebuilt; emitter-appended) ---
"""Pipeline reference for scband-node2-vec-42391327212249 (READ-ONLY COPY).

The authoritative reference and input builder live on the scoring server;
editing this copy changes nothing except your own understanding.
"""

import jax, jax.numpy as jnp
import numpy as np

N_NODES = 10000
D = 128
N_EDGES = 320000


def setup_inputs(seed: int = 0) -> dict:
    key = jax.random.key(seed)
    k1, k2, k3 = jax.random.split(key, 3)
    data = jax.random.normal(k1, (N_NODES, D), dtype=jnp.float32)
    edge_index = jax.random.randint(k2, (2, N_EDGES), 0, N_NODES, dtype=jnp.int64) if jax.config.jax_enable_x64 else jax.random.randint(k2, (2, N_EDGES), 0, N_NODES, dtype=jnp.int32)
    # Learned parameter: the node2vec lookup table stored as nn.Parameter
    embeddings = jax.random.normal(k3, (N_NODES, D), dtype=jnp.float32)
    return {"data": data, "edge_index": edge_index, "embeddings": embeddings}


def reference(data, edge_index, embeddings):
    # LookupEncoder.forward: ignores data and edge_index, returns the full
    # embedding table (a lookup table produced offline by node2vec).
    return embeddings

if __name__ == "__main__":
    import jax
    _d = setup_inputs()
    print(jax.jit(kernel)(*tuple(_d.values())))

</pallas_src>

<mosaic_0001>
#map = affine_map<(d0, d1) -> (0, 0)>
module attributes {stable_mosaic.version = 14 : i64} {
  func.func @_copy_body(%arg0: i32, %arg1: i32, %arg2: memref<10000x128xf32, #tpu.memory_space<hbm>>, %arg3: memref<10000x128xf32, #tpu.memory_space<hbm>>, %arg4: memref<3x104x128xf32, #tpu.memory_space<vmem>>, %arg5: memref<16x128xf32, #tpu.memory_space<vmem>>, %arg6: memref<!tpu.dma_semaphore, #tpu.memory_space<semaphore_mem>>, %arg7: memref<!tpu.dma_semaphore, #tpu.memory_space<semaphore_mem>>) attributes {dimension_semantics = [#tpu.dimension_semantics<core_parallel>, #tpu.dimension_semantics<subcore_parallel>], iteration_bounds = array<i64: 2, 16>, scalar_prefetch = 0 : i64, scratch_operands = 4 : i64, tpu.core_type = #tpu.core_type<sc_vector_subcore>, window_params = [{transform_indices = #map}, {transform_indices = #map}]} {
    %mul3A = arith.constant 2 : i32
    %mul3A_0 = arith.muli %arg1, %mul3A : i32
    %add3A = arith.addi %mul3A_0, %arg0 : i32
    %mul3A_1 = arith.constant 312 : i32
    %mul3A_2 = arith.muli %add3A, %mul3A_1 : i32
    %dma_start3A = arith.constant 0 : i32
    %dma_start3A_3 = arith.constant 0 : i32
    %dma_start3A_4 = arith.constant 0 : i32
    %dma_start3A_5 = tpu.memref_slice %arg4[%dma_start3A, %dma_start3A_3, %dma_start3A_4] : memref<3x104x128xf32, #tpu.memory_space<vmem>> -> memref<1x104x128xf32, #tpu.memory_space<vmem>>
    %dma_start3A_6 = tpu.memref_squeeze %dma_start3A_5 : memref<1x104x128xf32, #tpu.memory_space<vmem>> -> memref<104x128xf32, #tpu.memory_space<vmem>>
    %dma_start3A_7 = arith.constant 0 : i32
    %dma_start3A_8 = tpu.memref_slice %arg2[%mul3A_2, %dma_start3A_7] : memref<10000x128xf32, #tpu.memory_space<hbm>> -> memref<104x128xf32, #tpu.memory_space<hbm>>
    %dma_start3A_9 = arith.constant 0 : i32
    %dma_start3A_10 = arith.constant 0 : i32
    %dma_start3A_11 = tpu.memref_slice %arg4[%dma_start3A, %dma_start3A_9, %dma_start3A_10] : memref<3x104x128xf32, #tpu.memory_space<vmem>> -> memref<1x104x128xf32, #tpu.memory_space<vmem>>
    %dma_start3A_12 = tpu.memref_squeeze %dma_start3A_11 : memref<1x104x128xf32, #tpu.memory_space<vmem>> -> memref<104x128xf32, #tpu.memory_space<vmem>>
    %dma_start3A_13 = arith.constant 0 : i32
    %dma_start3A_14 = tpu.memref_slice %arg2[%mul3A_2, %dma_start3A_13] : memref<10000x128xf32, #tpu.memory_space<hbm>> -> memref<104x128xf32, #tpu.memory_space<hbm>>
    tpu.enqueue_dma source(%dma_start3A_14 : memref<104x128xf32, #tpu.memory_space<hbm>>) target(%dma_start3A_12 : memref<104x128xf32, #tpu.memory_space<vmem>>) target_semaphore(%arg6 : memref<!tpu.dma_semaphore, #tpu.memory_space<semaphore_mem>>)
    %add3A_15 = arith.constant 104 : i32
    %add3A_16 = arith.addi %mul3A_2, %add3A_15 : i32
    %dma_start3A_17 = arith.constant 1 : i32
    %dma_start3A_18 = arith.constant 0 : i32
    %dma_start3A_19 = arith.constant 0 : i32
    %dma_start3A_20 = tpu.memref_slice %arg4[%dma_start3A_17, %dma_start3A_18, %dma_start3A_19] : memref<3x104x128xf32, #tpu.memory_space<vmem>> -> memref<1x104x128xf32, #tpu.memory_space<vmem>>
    %dma_start3A_21 = tpu.memref_squeeze %dma_start3A_20 : memref<1x104x128xf32, #tpu.memory_space<vmem>> -> memref<104x128xf32, #tpu.memory_space<vmem>>
    %dma_start3A_22 = arith.constant 0 : i32
    %dma_start3A_23 = tpu.memref_slice %arg2[%add3A_16, %dma_start3A_22] : memref<10000x128xf32, #tpu.memory_space<hbm>> -> memref<104x128xf32, #tpu.memory_space<hbm>>
    %dma_start3A_24 = arith.constant 0 : i32
    %dma_start3A_25 = arith.constant 0 : i32
    %dma_start3A_26 = tpu.memref_slice %arg4[%dma_start3A_17, %dma_start3A_24, %dma_start3A_25] : memref<3x104x128xf32, #tpu.memory_space<vmem>> -> memref<1x104x128xf32, #tpu.memory_space<vmem>>
    %dma_start3A_27 = tpu.memref_squeeze %dma_start3A_26 : memref<1x104x128xf32, #tpu.memory_space<vmem>> -> memref<104x128xf32, #tpu.memory_space<vmem>>
    %dma_start3A_28 = arith.constant 0 : i32
    %dma_start3A_29 = tpu.memref_slice %arg2[%add3A_16, %dma_start3A_28] : memref<10000x128xf32, #tpu.memory_space<hbm>> -> memref<104x128xf32, #tpu.memory_space<hbm>>
    tpu.enqueue_dma source(%dma_start3A_29 : memref<104x128xf32, #tpu.memory_space<hbm>>) target(%dma_start3A_27 : memref<104x128xf32, #tpu.memory_space<vmem>>) target_semaphore(%arg6 : memref<!tpu.dma_semaphore, #tpu.memory_space<semaphore_mem>>)
    %add3A_30 = arith.constant 208 : i32
    %add3A_31 = arith.addi %mul3A_2, %add3A_30 : i32
    %dma_start3A_32 = arith.constant 2 : i32
    %dma_start3A_33 = arith.constant 0 : i32
    %dma_start3A_34 = arith.constant 0 : i32
    %dma_start3A_35 = tpu.memref_slice %arg4[%dma_start3A_32, %dma_start3A_33, %dma_start3A_34] : memref<3x104x128xf32, #tpu.memory_space<vmem>> -> memref<1x104x128xf32, #tpu.memory_space<vmem>>
    %dma_start3A_36 = tpu.memref_squeeze %dma_start3A_35 : memref<1x104x128xf32, #tpu.memory_space<vmem>> -> memref<104x128xf32, #tpu.memory_space<vmem>>
    %dma_start3A_37 = arith.constant 0 : i32
    %dma_start3A_38 = tpu.memref_slice %arg2[%add3A_31, %dma_start3A_37] : memref<10000x128xf32, #tpu.memory_space<hbm>> -> memref<104x128xf32, #tpu.memory_space<hbm>>
    %dma_start3A_39 = arith.constant 0 : i32
    %dma_start3A_40 = arith.constant 0 : i32
    %dma_start3A_41 = tpu.memref_slice %arg4[%dma_start3A_32, %dma_start3A_39, %dma_start3A_40] : memref<3x104x128xf32, #tpu.memory_space<vmem>> -> memref<1x104x128xf32, #tpu.memory_space<vmem>>
    %dma_start3A_42 = tpu.memref_squeeze %dma_start3A_41 : memref<1x104x128xf32, #tpu.memory_space<vmem>> -> memref<104x128xf32, #tpu.memory_space<vmem>>
    %dma_start3A_43 = arith.constant 0 : i32
    %dma_start3A_44 = tpu.memref_slice %arg2[%add3A_31, %dma_start3A_43] : memref<10000x128xf32, #tpu.memory_space<hbm>> -> memref<104x128xf32, #tpu.memory_space<hbm>>
    tpu.enqueue_dma source(%dma_start3A_44 : memref<104x128xf32, #tpu.memory_space<hbm>>) target(%dma_start3A_42 : memref<104x128xf32, #tpu.memory_space<vmem>>) target_semaphore(%arg6 : memref<!tpu.dma_semaphore, #tpu.memory_space<semaphore_mem>>)
    %dma_wait3A = arith.constant 0 : i32
    %dma_wait3A_45 = arith.constant 0 : i32
    %dma_wait3A_46 = arith.constant 0 : i32
    %dma_wait3A_47 = tpu.memref_slice %arg4[%dma_wait3A, %dma_wait3A_45, %dma_wait3A_46] : memref<3x104x128xf32, #tpu.memory_space<vmem>> -> memref<1x104x128xf32, #tpu.memory_space<vmem>>
    %dma_wait3A_48 = tpu.memref_squeeze %dma_wait3A_47 : memref<1x104x128xf32, #tpu.memory_space<vmem>> -> memref<104x128xf32, #tpu.memory_space<vmem>>
    %dma_wait3A_49 = arith.constant 0 : i32
    %dma_wait3A_50 = tpu.memref_slice %arg2[%mul3A_2, %dma_wait3A_49] : memref<10000x128xf32, #tpu.memory_space<hbm>> -> memref<104x128xf32, #tpu.memory_space<hbm>>
    %dma_wait3A_51 = arith.constant 0 : i32
    %dma_wait3A_52 = arith.constant 0 : i32
    %dma_wait3A_53 = tpu.memref_slice %arg4[%dma_wait3A, %dma_wait3A_51, %dma_wait3A_52] : memref<3x104x128xf32, #tpu.memory_space<vmem>> -> memref<1x104x128xf32, #tpu.memory_space<vmem>>
    %dma_wait3A_54 = tpu.memref_squeeze %dma_wait3A_53 : memref<1x104x128xf32, #tpu.memory_space<vmem>> -> memref<104x128xf32, #tpu.memory_space<vmem>>
    %dma_wait3A_55 = arith.constant 0 : i32
    %dma_wait3A_56 = tpu.memref_slice %arg2[%mul3A_2, %dma_wait3A_55] : memref<10000x128xf32, #tpu.memory_space<hbm>> -> memref<104x128xf32, #tpu.memory_space<hbm>>
    tpu.wait_dma2 semaphore(%arg6 : memref<!tpu.dma_semaphore, #tpu.memory_space<semaphore_mem>>) src(%dma_wait3A_56 : memref<104x128xf32, #tpu.memory_space<hbm>>) dst(%dma_wait3A_54 : memref<104x128xf32, #tpu.memory_space<vmem>>)
    %dma_start3A_57 = arith.constant 0 : i32
    %dma_start3A_58 = arith.constant 0 : i32
    %dma_start3A_59 = arith.constant 0 : i32
    %dma_start3A_60 = tpu.memref_slice %arg4[%dma_start3A_57, %dma_start3A_58, %dma_start3A_59] : memref<3x104x128xf32, #tpu.memory_space<vmem>> -> memref<1x104x128xf32, #tpu.memory_space<vmem>>
    %dma_start3A_61 = tpu.memref_squeeze %dma_start3A_60 : memref<1x104x128xf32, #tpu.memory_space<vmem>> -> memref<104x128xf32, #tpu.memory_space<vmem>>
    %dma_start3A_62 = arith.constant 0 : i32
    %dma_start3A_63 = tpu.memref_slice %arg3[%mul3A_2, %dma_start3A_62] : memref<10000x128xf32, #tpu.memory_space<hbm>> -> memref<104x128xf32, #tpu.memory_space<hbm>>
    %dma_start3A_64 = arith.constant 0 : i32
    %dma_start3A_65 = tpu.memref_slice %arg3[%mul3A_2, %dma_start3A_64] : memref<10000x128xf32, #tpu.memory_space<hbm>> -> memref<104x128xf32, #tpu.memory_space<hbm>>
    %dma_start3A_66 = arith.constant 0 : i32
    %dma_start3A_67 = arith.constant 0 : i32
    %dma_start3A_68 = tpu.memref_slice %arg4[%dma_start3A_57, %dma_start3A_66, %dma_start3A_67] : memref<3x104x128xf32, #tpu.memory_space<vmem>> -> memref<1x104x128xf32, #tpu.memory_space<vmem>>
    %dma_start3A_69 = tpu.memref_squeeze %dma_start3A_68 : memref<1x104x128xf32, #tpu.memory_space<vmem>> -> memref<104x128xf32, #tpu.memory_space<vmem>>
    tpu.enqueue_dma source(%dma_start3A_69 : memref<104x128xf32, #tpu.memory_space<vmem>>) target(%dma_start3A_65 : memref<104x128xf32, #tpu.memory_space<hbm>>) target_semaphore(%arg7 : memref<!tpu.dma_semaphore, #tpu.memory_space<semaphore_mem>>)
    %dma_wait3A_70 = arith.constant 1 : i32
    %dma_wait3A_71 = arith.constant 0 : i32
    %dma_wait3A_72 = arith.constant 0 : i32
    %dma_wait3A_73 = tpu.memref_slice %arg4[%dma_wait3A_70, %dma_wait3A_71, %dma_wait3A_72] : memref<3x104x128xf32, #tpu.memory_space<vmem>> -> memref<1x104x128xf32, #tpu.memory_space<vmem>>
    %dma_wait3A_74 = tpu.memref_squeeze %dma_wait3A_73 : memref<1x104x128xf32, #tpu.memory_space<vmem>> -> memref<104x128xf32, #tpu.memory_space<vmem>>
    %dma_wait3A_75 = arith.constant 0 : i32
    %dma_wait3A_76 = tpu.memref_slice %arg2[%add3A_16, %dma_wait3A_75] : memref<10000x128xf32, #tpu.memory_space<hbm>> -> memref<104x128xf32, #tpu.memory_space<hbm>>
    %dma_wait3A_77 = arith.constant 0 : i32
    %dma_wait3A_78 = arith.constant 0 : i32
    %dma_wait3A_79 = tpu.memref_slice %arg4[%dma_wait3A_70, %dma_wait3A_77, %dma_wait3A_78] : memref<3x104x128xf32, #tpu.memory_space<vmem>> -> memref<1x104x128xf32, #tpu.memory_space<vmem>>
    %dma_wait3A_80 = tpu.memref_squeeze %dma_wait3A_79 : memref<1x104x128xf32, #tpu.memory_space<vmem>> -> memref<104x128xf32, #tpu.memory_space<vmem>>
    %dma_wait3A_81 = arith.constant 0 : i32
    %dma_wait3A_82 = tpu.memref_slice %arg2[%add3A_16, %dma_wait3A_81] : memref<10000x128xf32, #tpu.memory_space<hbm>> -> memref<104x128xf32, #tpu.memory_space<hbm>>
    tpu.wait_dma2 semaphore(%arg6 : memref<!tpu.dma_semaphore, #tpu.memory_space<semaphore_mem>>) src(%dma_wait3A_82 : memref<104x128xf32, #tpu.memory_space<hbm>>) dst(%dma_wait3A_80 : memref<104x128xf32, #tpu.memory_space<vmem>>)
    %add3A_83 = arith.constant 104 : i32
    %add3A_84 = arith.addi %mul3A_2, %add3A_83 : i32
    %dma_start3A_85 = arith.constant 1 : i32
    %dma_start3A_86 = arith.constant 0 : i32
    %dma_start3A_87 = arith.constant 0 : i32
    %dma_start3A_88 = tpu.memref_slice %arg4[%dma_start3A_85, %dma_start3A_86, %dma_start3A_87] : memref<3x104x128xf32, #tpu.memory_space<vmem>> -> memref<1x104x128xf32, #tpu.memory_space<vmem>>
    %dma_start3A_89 = tpu.memref_squeeze %dma_start3A_88 : memref<1x104x128xf32, #tpu.memory_space<vmem>> -> memref<104x128xf32, #tpu.memory_space<vmem>>
    %dma_start3A_90 = arith.constant 0 : i32
    %dma_start3A_91 = tpu.memref_slice %arg3[%add3A_84, %dma_start3A_90] : memref<10000x128xf32, #tpu.memory_space<hbm>> -> memref<104x128xf32, #tpu.memory_space<hbm>>
    %dma_start3A_92 = arith.constant 0 : i32
    %dma_start3A_93 = tpu.memref_slice %arg3[%add3A_84, %dma_start3A_92] : memref<10000x128xf32, #tpu.memory_space<hbm>> -> memref<104x128xf32, #tpu.memory_space<hbm>>
    %dma_start3A_94 = arith.constant 0 : i32
    %dma_start3A_95 = arith.constant 0 : i32
    %dma_start3A_96 = tpu.memref_slice %arg4[%dma_start3A_85, %dma_start3A_94, %dma_start3A_95] : memref<3x104x128xf32, #tpu.memory_space<vmem>> -> memref<1x104x128xf32, #tpu.memory_space<vmem>>
    %dma_start3A_97 = tpu.memref_squeeze %dma_start3A_96 : memref<1x104x128xf32, #tpu.memory_space<vmem>> -> memref<104x128xf32, #tpu.memory_space<vmem>>
    tpu.enqueue_dma source(%dma_start3A_97 : memref<104x128xf32, #tpu.memory_space<vmem>>) target(%dma_start3A_93 : memref<104x128xf32, #tpu.memory_space<hbm>>) target_semaphore(%arg7 : memref<!tpu.dma_semaphore, #tpu.memory_space<semaphore_mem>>)
    %dma_wait3A_98 = arith.constant 2 : i32
    %dma_wait3A_99 = arith.constant 0 : i32
    %dma_wait3A_100 = arith.constant 0 : i32
    %dma_wait3A_101 = tpu.memref_slice %arg4[%dma_wait3A_98, %dma_wait3A_99, %dma_wait3A_100] : memref<3x104x128xf32, #tpu.memory_space<vmem>> -> memref<1x104x128xf32, #tpu.memory_space<vmem>>
    %dma_wait3A_102 = tpu.memref_squeeze %dma_wait3A_101 : memref<1x104x128xf32, #tpu.memory_space<vmem>> -> memref<104x128xf32, #tpu.memory_space<vmem>>
    %dma_wait3A_103 = arith.constant 0 : i32
    %dma_wait3A_104 = tpu.memref_slice %arg2[%add3A_31, %dma_wait3A_103] : memref<10000x128xf32, #tpu.memory_space<hbm>> -> memref<104x128xf32, #tpu.memory_space<hbm>>
    %dma_wait3A_105 = arith.constant 0 : i32
    %dma_wait3A_106 = arith.constant 0 : i32
    %dma_wait3A_107 = tpu.memref_slice %arg4[%dma_wait3A_98, %dma_wait3A_105, %dma_wait3A_106] : memref<3x104x128xf32, #tpu.memory_space<vmem>> -> memref<1x104x128xf32, #tpu.memory_space<vmem>>
    %dma_wait3A_108 = tpu.memref_squeeze %dma_wait3A_107 : memref<1x104x128xf32, #tpu.memory_space<vmem>> -> memref<104x128xf32, #tpu.memory_space<vmem>>
    %dma_wait3A_109 = arith.constant 0 : i32
    %dma_wait3A_110 = tpu.memref_slice %arg2[%add3A_31, %dma_wait3A_109] : memref<10000x128xf32, #tpu.memory_space<hbm>> -> memref<104x128xf32, #tpu.memory_space<hbm>>
    tpu.wait_dma2 semaphore(%arg6 : memref<!tpu.dma_semaphore, #tpu.memory_space<semaphore_mem>>) src(%dma_wait3A_110 : memref<104x128xf32, #tpu.memory_space<hbm>>) dst(%dma_wait3A_108 : memref<104x128xf32, #tpu.memory_space<vmem>>)
    %add3A_111 = arith.constant 208 : i32
    %add3A_112 = arith.addi %mul3A_2, %add3A_111 : i32
    %dma_start3A_113 = arith.constant 2 : i32
    %dma_start3A_114 = arith.constant 0 : i32
    %dma_start3A_115 = arith.constant 0 : i32
    %dma_start3A_116 = tpu.memref_slice %arg4[%dma_start3A_113, %dma_start3A_114, %dma_start3A_115] : memref<3x104x128xf32, #tpu.memory_space<vmem>> -> memref<1x104x128xf32, #tpu.memory_space<vmem>>
    %dma_start3A_117 = tpu.memref_squeeze %dma_start3A_116 : memref<1x104x128xf32, #tpu.memory_space<vmem>> -> memref<104x128xf32, #tpu.memory_space<vmem>>
    %dma_start3A_118 = arith.constant 0 : i32
    %dma_start3A_119 = tpu.memref_slice %arg3[%add3A_112, %dma_start3A_118] : memref<10000x128xf32, #tpu.memory_space<hbm>> -> memref<104x128xf32, #tpu.memory_space<hbm>>
    %dma_start3A_120 = arith.constant 0 : i32
    %dma_start3A_121 = tpu.memref_slice %arg3[%add3A_112, %dma_start3A_120] : memref<10000x128xf32, #tpu.memory_space<hbm>> -> memref<104x128xf32, #tpu.memory_space<hbm>>
    %dma_start3A_122 = arith.constant 0 : i32
    %dma_start3A_123 = arith.constant 0 : i32
    %dma_start3A_124 = tpu.memref_slice %arg4[%dma_start3A_113, %dma_start3A_122, %dma_start3A_123] : memref<3x104x128xf32, #tpu.memory_space<vmem>> -> memref<1x104x128xf32, #tpu.memory_space<vmem>>
    %dma_start3A_125 = tpu.memref_squeeze %dma_start3A_124 : memref<1x104x128xf32, #tpu.memory_space<vmem>> -> memref<104x128xf32, #tpu.memory_space<vmem>>
    tpu.enqueue_dma source(%dma_start3A_125 : memref<104x128xf32, #tpu.memory_space<vmem>>) target(%dma_start3A_121 : memref<104x128xf32, #tpu.memory_space<hbm>>) target_semaphore(%arg7 : memref<!tpu.dma_semaphore, #tpu.memory_space<semaphore_mem>>)
    %eq3A = arith.constant 0 : i32
    %eq3A_126 = arith.cmpi eq, %add3A, %eq3A : i32
    %convert_element_type3A = arith.extui %eq3A_126 : i1 to i32
    %cond3A = arith.constant 0 : i32
    %cond3A_127 = arith.cmpi ne, %convert_element_type3A, %cond3A : i32
    scf.if %cond3A_127 {
      "tpu.region"() ({
        %run_scoped3A = tpu.sem_alloc : memref<!tpu.dma_semaphore, #tpu.memory_space<semaphore_mem>>
        %dma_start3A_167 = arith.constant 9984 : i32
        %dma_start3A_168 = arith.constant 0 : i32
        %dma_start3A_169 = tpu.memref_slice %arg2[%dma_start3A_167, %dma_start3A_168] : memref<10000x128xf32, #tpu.memory_space<hbm>> -> memref<16x128xf32, #tpu.memory_space<hbm>>
        %dma_start3A_170 = arith.constant 9984 : i32
        %dma_start3A_171 = arith.constant 0 : i32
        %dma_start3A_172 = tpu.memref_slice %arg2[%dma_start3A_170, %dma_start3A_171] : memref<10000x128xf32, #tpu.memory_space<hbm>> -> memref<16x128xf32, #tpu.memory_space<hbm>>
        tpu.enqueue_dma source(%dma_start3A_172 : memref<16x128xf32, #tpu.memory_space<hbm>>) target(%arg5 : memref<16x128xf32, #tpu.memory_space<vmem>>) target_semaphore(%run_scoped3A : memref<!tpu.dma_semaphore, #tpu.memory_space<semaphore_mem>>)
        %dma_wait3A_173 = arith.constant 9984 : i32
        %dma_wait3A_174 = arith.constant 0 : i32
        %dma_wait3A_175 = tpu.memref_slice %arg2[%dma_wait3A_173, %dma_wait3A_174] : memref<10000x128xf32, #tpu.memory_space<hbm>> -> memref<16x128xf32, #tpu.memory_space<hbm>>
        %dma_wait3A_176 = arith.constant 9984 : i32
        %dma_wait3A_177 = arith.constant 0 : i32
        %dma_wait3A_178 = tpu.memref_slice %arg2[%dma_wait3A_176, %dma_wait3A_177] : memref<10000x128xf32, #tpu.memory_space<hbm>> -> memref<16x128xf32, #tpu.memory_space<hbm>>
        tpu.wait_dma2 semaphore(%run_scoped3A : memref<!tpu.dma_semaphore, #tpu.memory_space<semaphore_mem>>) src(%dma_wait3A_178 : memref<16x128xf32, #tpu.memory_space<hbm>>) dst(%arg5 : memref<16x128xf32, #tpu.memory_space<vmem>>)
        tpu.yield
      }) : () -> ()
      "tpu.region"() ({
        %run_scoped3A = tpu.sem_alloc : memref<!tpu.dma_semaphore, #tpu.memory_space<semaphore_mem>>
        %dma_start3A_167 = arith.constant 9984 : i32
        %dma_start3A_168 = arith.constant 0 : i32
        %dma_start3A_169 = tpu.memref_slice %arg3[%dma_start3A_167, %dma_start3A_168] : memref<10000x128xf32, #tpu.memory_space<hbm>> -> memref<16x128xf32, #tpu.memory_space<hbm>>
        %dma_start3A_170 = arith.constant 9984 : i32
        %dma_start3A_171 = arith.constant 0 : i32
        %dma_start3A_172 = tpu.memref_slice %arg3[%dma_start3A_170, %dma_start3A_171] : memref<10000x128xf32, #tpu.memory_space<hbm>> -> memref<16x128xf32, #tpu.memory_space<hbm>>
        tpu.enqueue_dma source(%arg5 : memref<16x128xf32, #tpu.memory_space<vmem>>) target(%dma_start3A_172 : memref<16x128xf32, #tpu.memory_space<hbm>>) target_semaphore(%run_scoped3A : memref<!tpu.dma_semaphore, #tpu.memory_space<semaphore_mem>>)
        %dma_wait3A_173 = arith.constant 9984 : i32
        %dma_wait3A_174 = arith.constant 0 : i32
        %dma_wait3A_175 = tpu.memref_slice %arg3[%dma_wait3A_173, %dma_wait3A_174] : memref<10000x128xf32, #tpu.memory_space<hbm>> -> memref<16x128xf32, #tpu.memory_space<hbm>>
        %dma_wait3A_176 = arith.constant 9984 : i32
        %dma_wait3A_177 = arith.constant 0 : i32
        %dma_wait3A_178 = tpu.memref_slice %arg3[%dma_wait3A_176, %dma_wait3A_177] : memref<10000x128xf32, #tpu.memory_space<hbm>> -> memref<16x128xf32, #tpu.memory_space<hbm>>
        tpu.wait_dma2 semaphore(%run_scoped3A : memref<!tpu.dma_semaphore, #tpu.memory_space<semaphore_mem>>) src(%arg5 : memref<16x128xf32, #tpu.memory_space<vmem>>) dst(%dma_wait3A_178 : memref<16x128xf32, #tpu.memory_space<hbm>>)
        tpu.yield
      }) : () -> ()
    } else {
    }
    %dma_wait3A_128 = arith.constant 0 : i32
    %dma_wait3A_129 = arith.constant 0 : i32
    %dma_wait3A_130 = arith.constant 0 : i32
    %dma_wait3A_131 = tpu.memref_slice %arg4[%dma_wait3A_128, %dma_wait3A_129, %dma_wait3A_130] : memref<3x104x128xf32, #tpu.memory_space<vmem>> -> memref<1x104x128xf32, #tpu.memory_space<vmem>>
    %dma_wait3A_132 = tpu.memref_squeeze %dma_wait3A_131 : memref<1x104x128xf32, #tpu.memory_space<vmem>> -> memref<104x128xf32, #tpu.memory_space<vmem>>
    %dma_wait3A_133 = arith.constant 0 : i32
    %dma_wait3A_134 = tpu.memref_slice %arg3[%mul3A_2, %dma_wait3A_133] : memref<10000x128xf32, #tpu.memory_space<hbm>> -> memref<104x128xf32, #tpu.memory_space<hbm>>
    %dma_wait3A_135 = arith.constant 0 : i32
    %dma_wait3A_136 = tpu.memref_slice %arg3[%mul3A_2, %dma_wait3A_135] : memref<10000x128xf32, #tpu.memory_space<hbm>> -> memref<104x128xf32, #tpu.memory_space<hbm>>
    %dma_wait3A_137 = arith.constant 0 : i32
    %dma_wait3A_138 = arith.constant 0 : i32
    %dma_wait3A_139 = tpu.memref_slice %arg4[%dma_wait3A_128, %dma_wait3A_137, %dma_wait3A_138] : memref<3x104x128xf32, #tpu.memory_space<vmem>> -> memref<1x104x128xf32, #tpu.memory_space<vmem>>
    %dma_wait3A_140 = tpu.memref_squeeze %dma_wait3A_139 : memref<1x104x128xf32, #tpu.memory_space<vmem>> -> memref<104x128xf32, #tpu.memory_space<vmem>>
    tpu.wait_dma2 semaphore(%arg7 : memref<!tpu.dma_semaphore, #tpu.memory_space<semaphore_mem>>) src(%dma_wait3A_140 : memref<104x128xf32, #tpu.memory_space<vmem>>) dst(%dma_wait3A_136 : memref<104x128xf32, #tpu.memory_space<hbm>>)
    %dma_wait3A_141 = arith.constant 1 : i32
    %dma_wait3A_142 = arith.constant 0 : i32
    %dma_wait3A_143 = arith.constant 0 : i32
    %dma_wait3A_144 = tpu.memref_slice %arg4[%dma_wait3A_141, %dma_wait3A_142, %dma_wait3A_143] : memref<3x104x128xf32, #tpu.memory_space<vmem>> -> memref<1x104x128xf32, #tpu.memory_space<vmem>>
    %dma_wait3A_145 = tpu.memref_squeeze %dma_wait3A_144 : memref<1x104x128xf32, #tpu.memory_space<vmem>> -> memref<104x128xf32, #tpu.memory_space<vmem>>
    %dma_wait3A_146 = arith.constant 0 : i32
    %dma_wait3A_147 = tpu.memref_slice %arg3[%add3A_84, %dma_wait3A_146] : memref<10000x128xf32, #tpu.memory_space<hbm>> -> memref<104x128xf32, #tpu.memory_space<hbm>>
    %dma_wait3A_148 = arith.constant 0 : i32
    %dma_wait3A_149 = tpu.memref_slice %arg3[%add3A_84, %dma_wait3A_148] : memref<10000x128xf32, #tpu.memory_space<hbm>> -> memref<104x128xf32, #tpu.memory_space<hbm>>
    %dma_wait3A_150 = arith.constant 0 : i32
    %dma_wait3A_151 = arith.constant 0 : i32
    %dma_wait3A_152 = tpu.memref_slice %arg4[%dma_wait3A_141, %dma_wait3A_150, %dma_wait3A_151] : memref<3x104x128xf32, #tpu.memory_space<vmem>> -> memref<1x104x128xf32, #tpu.memory_space<vmem>>
    %dma_wait3A_153 = tpu.memref_squeeze %dma_wait3A_152 : memref<1x104x128xf32, #tpu.memory_space<vmem>> -> memref<104x128xf32, #tpu.memory_space<vmem>>
    tpu.wait_dma2 semaphore(%arg7 : memref<!tpu.dma_semaphore, #tpu.memory_space<semaphore_mem>>) src(%dma_wait3A_153 : memref<104x128xf32, #tpu.memory_space<vmem>>) dst(%dma_wait3A_149 : memref<104x128xf32, #tpu.memory_space<hbm>>)
    %dma_wait3A_154 = arith.constant 2 : i32
    %dma_wait3A_155 = arith.constant 0 : i32
    %dma_wait3A_156 = arith.constant 0 : i32
    %dma_wait3A_157 = tpu.memref_slice %arg4[%dma_wait3A_154, %dma_wait3A_155, %dma_wait3A_156] : memref<3x104x128xf32, #tpu.memory_space<vmem>> -> memref<1x104x128xf32, #tpu.memory_space<vmem>>
    %dma_wait3A_158 = tpu.memref_squeeze %dma_wait3A_157 : memref<1x104x128xf32, #tpu.memory_space<vmem>> -> memref<104x128xf32, #tpu.memory_space<vmem>>
    %dma_wait3A_159 = arith.constant 0 : i32
    %dma_wait3A_160 = tpu.memref_slice %arg3[%add3A_112, %dma_wait3A_159] : memref<10000x128xf32, #tpu.memory_space<hbm>> -> memref<104x128xf32, #tpu.memory_space<hbm>>
    %dma_wait3A_161 = arith.constant 0 : i32
    %dma_wait3A_162 = tpu.memref_slice %arg3[%add3A_112, %dma_wait3A_161] : memref<10000x128xf32, #tpu.memory_space<hbm>> -> memref<104x128xf32, #tpu.memory_space<hbm>>
    %dma_wait3A_163 = arith.constant 0 : i32
    %dma_wait3A_164 = arith.constant 0 : i32
    %dma_wait3A_165 = tpu.memref_slice %arg4[%dma_wait3A_154, %dma_wait3A_163, %dma_wait3A_164] : memref<3x104x128xf32, #tpu.memory_space<vmem>> -> memref<1x104x128xf32, #tpu.memory_space<vmem>>
    %dma_wait3A_166 = tpu.memref_squeeze %dma_wait3A_165 : memref<1x104x128xf32, #tpu.memory_space<vmem>> -> memref<104x128xf32, #tpu.memory_space<vmem>>
    tpu.wait_dma2 semaphore(%arg7 : memref<!tpu.dma_semaphore, #tpu.memory_space<semaphore_mem>>) src(%dma_wait3A_166 : memref<104x128xf32, #tpu.memory_space<vmem>>) dst(%dma_wait3A_162 : memref<104x128xf32, #tpu.memory_space<hbm>>)
    return
  }
}

</mosaic_0001>

<sc_bundles>
// kernel: kernel.3.cloned.1.call-start
scs
__scs_entry_jumppad:
0x0: {  	(pc) =	sbr.rel $0x88, $3  }
0x1: {  	(tag) =	ssettag $0x0;
	lr =	simm.s32 $0x1  }
0x2: {  	[smem:$0x3FA0] =	sst lr;
	_ =	strace $0xD0000000  }
0x3: {  	_ = 	snop  }
0x4: {  	_ = 	snop  }
0x5: {  	_ = 	snop  }
0x6: {  	_ = 	snop  }
0x7: {  	_ = 	snop  }
__scs_overlays_trampoline_lowered:
0x8: {  	[smem:$0x3FAF] =	sst s0  }
0x9: {  	[smem:$0x3FB0] =	sst s1  }
0xa: {  	[smem:$0x3FB1] =	sst s2  }
0xb: {  	[smem:$0x3FB2] =	sst s3  }
0xc: {  	[smem:$0x3FB3] =	sst s4  }
0xd: {  	[smem:$0x3FB4] =	sst s5  }
0xe: {  	[smem:$0x3FB5] =	sst s6  }
0xf: {  	[smem:$0x3FB6] =	sst s7  }
0x10: {  	[smem:$0x3FB7] =	sst s8  }
0x11: {  	[smem:$0x3FB8] =	sst s9;
	s0 =	simm.s32 @!p0 $0x0  }
0x12: {  	s1 =	sld [smem:$0x3F9E];
	s0 =	simm.s32 @p0 $0x1  }
0x13: {  	[smem:$0x3FB9] =	sst s0;
	s0 =	simm.s32 @!p1 $0x0  }
0x14: {  	s2 =	sld [smem:$0x3F9D];
	s0 =	simm.s32 @p1 $0x1  }
0x15: {  	[smem:$0x3FBA] =	sst s0;
	s0 =	simm.s32 @!p2 $0x0  }
0x16: {  	s3 =	sld [smem:$0x3FDB];
	s0 =	simm.s32 @p2 $0x1  }
0x17: {  	s4 =	simm.s32 $0x1BF5;
	[smem:$0x3FBC] =	sst s0  }
0x18: {  	s0 =	sld [smem:$0x3F9F];
	_ =	swait.ge [sflag:s4], $0x0  }
0x19: {  	s7 =	sld [smem:$0x3FA0]  }
0x1a: {  	s8 =	sadd.s32 $0xFFFFE003, lr  }
0x1b: {  	s9 =	sadd.s32 $0xFFFFFEF7, lr;
	s5 =	simm.s32 $0xFFFFFFFF;
	p2 =	slt.u32 s8, $0xFFFFF086  }
0x1c: {  	p1 =	slt.u32 s9, $0xF7A;
	s5 =	simm.s32 @!p2 $0x0  }
0x1d: {  	s5 =	simm.s32 @p1 $0x1;
	p0 =	seq.s32 s7, s2  }
0x1e: {  	s7 =	smul.u32 @!p0 $0xF7A, s2;
	p2 =	seq.s32 @!p0 s5, $0x0  }
0x1f: {  	s9 =	smul.u32 $0xF7A, s1;
	s8 =	simm.s32 @!p0 $0x1BF5;
	p2 =	por !p2, p0  }
0x20: {  	[sflag:s8] =	ssyncset.s32 @!p0 $0xFFFFF086;
	s6 =	sadd.s32 @!p0 s3, s7;
	s7 =	simm.s32 @!p0 $0x108  }
0x21: {  	s3 =	sadd.s32 s3, s9;
	s6 =	sadd.s32 @!p0 $0x88, s6;
	s7 =	simm.s32 @p2 $0x1082  }
0x22: {  	[simem:s7], [sflag:s8] =	dma.local @!p0 [hbm:s6], $0xF7A  }
0x23: {  	s9 =	sor.u32 $0xD0000000, s2;
	s6 =	simm.s32 $0x108;
	_ =	swait.ge @!p0 [sflag:s8], $0x0  }
0x24: {  	s3 =	sadd.s32 $0x88, s3;
	s6 =	simm.s32 @!p1 $0x1082;
	[sflag:s4] =	ssyncset.s32 $0xFFFFF086  }
0x25: {  	[simem:s6], [sflag:s4] =	dma.local [hbm:s3], $0xF7A  }
0x26: {  	[smem:$0x3FA0] =	sst s1;
	(tag) =	ssettag s2;
	_ =	strace s9  }
0x27: {  	s1 =	sld [smem:$0x3FB0]  }
0x28: {  	s2 =	sld [smem:$0x3FB1]  }
0x29: {  	s4 =	sld [smem:$0x3FB3]  }
0x2a: {  	p0 =	seq.s32 s5, $0x0;
	s5 =	sld [smem:$0x3FB4]  }
0x2b: {  	s6 =	sld [smem:$0x3FB5]  }
0x2c: {  	s7 =	sld [smem:$0x3FB6]  }
0x2d: {  	s3 =	simm.s32 $0x108;
	s8 =	sld [smem:$0x3FB7]  }
0x2e: {  	s3 =	simm.s32 @!p0 $0x1082;
	s9 =	sld [smem:$0x3FB8]  }
0x2f: {  	lr =	sadd.s32 s0, s3;
	s0 =	sld [smem:$0x3FAF]  }
0x30: {  	s3 =	sld [smem:$0x3FB2]  }
0x31: {  	[smem:$0x3FBB] =	sst s10  }
0x32: {  	s10 =	sld [smem:$0x3FB9];
	_ =	sdelay $0x3  }
0x33: {  	p0 =	seq.s32 s10, $0x1;
	s10 =	sld [smem:$0x3FBB];
	_ =	sdelay $0x3  }
0x34: {  	[smem:$0x3FBB] =	sst s10  }
0x35: {  	s10 =	sld [smem:$0x3FBA];
	_ =	sdelay $0x3  }
0x36: {  	p1 =	seq.s32 s10, $0x1;
	s10 =	sld [smem:$0x3FBB];
	_ =	sdelay $0x3  }
0x37: {  	[smem:$0x3FBB] =	sst s10  }
0x38: {  	s10 =	sld [smem:$0x3FBC]  }
0x39: {  	_ = 	snop;
	(pc) =	sbr.ind lr, $3  }
0x3a: {  	_ = 	snop  }
0x3b: {  	_ = 	snop  }
0x3c: {  	p2 =	seq.s32 s10, $0x1;
	s10 =	sld [smem:$0x3FBB]  }
0x3d: {  	_ =	shalt  }
0x3e: {  	_ =	shalt  }
0x3f: {  	_ =	shalt  }
0x40: {  	_ =	shalt  }
0x41: {  	_ =	shalt  }
0x42: {  	_ =	shalt  }
0x43: {  	_ =	shalt  }
0x44: {  	_ =	shalt  }
0x45: {  	_ =	shalt  }
0x46: {  	_ =	shalt  }
0x47: {  	_ =	shalt  }
0x48: {  	_ =	shalt  }
0x49: {  	_ =	shalt  }
0x4a: {  	_ =	shalt  }
0x4b: {  	_ =	shalt  }
0x4c: {  	_ =	shalt  }
0x4d: {  	_ =	shalt  }
0x4e: {  	_ =	shalt  }
0x4f: {  	_ =	shalt  }
0x50: {  	_ =	shalt  }
0x51: {  	_ =	shalt  }
0x52: {  	_ =	shalt  }
0x53: {  	_ =	shalt  }
0x54: {  	_ =	shalt  }
0x55: {  	_ =	shalt  }
0x56: {  	_ =	shalt  }
0x57: {  	_ =	shalt  }
0x58: {  	_ =	shalt  }
0x59: {  	_ =	shalt  }
0x5a: {  	_ =	shalt  }
0x5b: {  	_ =	shalt  }
0x5c: {  	_ =	shalt  }
0x5d: {  	_ =	shalt  }
0x5e: {  	_ =	shalt  }
0x5f: {  	_ =	shalt  }
0x60: {  	_ =	shalt  }
0x61: {  	_ =	shalt  }
0x62: {  	_ =	shalt  }
0x63: {  	_ =	shalt  }
0x64: {  	_ =	shalt  }
0x65: {  	_ =	shalt  }
0x66: {  	_ =	shalt  }
0x67: {  	_ =	shalt  }
0x68: {  	_ =	shalt  }
0x69: {  	_ =	shalt  }
0x6a: {  	_ =	shalt  }
0x6b: {  	_ =	shalt  }
0x6c: {  	_ =	shalt  }
0x6d: {  	_ =	shalt  }
0x6e: {  	_ =	shalt  }
0x6f: {  	_ =	shalt  }
0x70: {  	_ =	shalt  }
0x71: {  	_ =	shalt  }
0x72: {  	_ =	shalt  }
0x73: {  	_ =	shalt  }
0x74: {  	_ =	shalt  }
0x75: {  	_ =	shalt  }
0x76: {  	_ =	shalt  }
0x77: {  	_ =	shalt  }
0x78: {  	_ =	shalt  }
0x79: {  	_ =	shalt  }
0x7a: {  	_ =	shalt  }
0x7b: {  	_ =	shalt  }
0x7c: {  	_ =	shalt  }
0x7d: {  	_ =	shalt  }
0x7e: {  	_ =	shalt  }
0x7f: {  	_ =	shalt  }
0x80: {  	_ =	shalt  }
0x81: {  	_ =	shalt  }
0x82: {  	_ =	shalt  }
0x83: {  	_ =	shalt  }
0x84: {  	_ =	shalt  }
0x85: {  	_ =	shalt  }
0x86: {  	_ =	shalt  }
0x87: {  	_ =	shalt  }
.Lfunc_end0:
.L_simem_size_0:
called_computation_lowered:
.L_overlay_start_0:
0x88: {  	s2 =	sld [smem:$0x3FD9]  }
0x89: {  	s3 =	sld [smem:$0x3FFE];
	_ =	sdelay $0x1  }
0x8a: {  	s1 =	srdreg.scid  }
0x8b: {  	s0 =	sand.u32 $0x1, s1  }
0x8c: {  	s18 =	sshll.u32 s0, $0xA;
	s2 =	sadd.s32 s3, s2  }
0x8d: {  	s2 =	sadd.s32 s2, s18  }
0x8e: {  	[smem:$0x3FC7] =	sst s2  }
0x8f: {  	_ = 	snop  }
0x90: {  	s2 =	sld [smem:$0x3FC9]  }
0x91: {  	s19 =	sld [smem:$0x3FD0];
	(tm) =	ssettm $0x1  }
0x92: {  	s4 =	sld [smem:$0x3FFB];
	_ =	sdelay $0x3  }
0x93: {  	_ =	strace s4  }
0x94: {  	s4 =	sld [smem:$0x3FFC];
	_ =	sdelay $0x3  }
0x95: {  	_ =	strace s4  }
0x96: {  	s4 =	sld [smem:$0x3FFD];
	_ =	sdelay $0x3  }
0x97: {  	_ =	strace s4  }
0x98: {  	_ =	strace $0x8FFFFFFF  }
0x99: {  	s20 =	sld [smem:$0x3FDB];
	_ =	sdelay $0x1  }
0x9a: {  	s5 =	simm.s32 $_scs_section_size  }
0x9b: {  	s6 =	simm.s32 $_size__tile_overlayer_lowered;
	s7 =	simm.s32 $_tile_overlayer_lowered  }
0x9c: {  	s23 =	simm.s32 $0x1BFF;
	s22 =	sshll.u32 s7, $0x1;
	s4 =	sadd.s32 s5, s20  }
0x9d: {  	s8 =	simm.s32 $0x0;
	s21 =	sshll.u32 s6, $0x1;
	s6 =	sadd.s32 s22, s4  }
0x9e: {  	[timem:s8], [sflag:s23] =	dma.local [hbm:s6], s21  }
0x9f: {  	_ =	swait.ge [sflag:s23], s21  }
0xa0: {  	s5 =	ssub.s32 $0x0, s21;
	[sflag:s23] =	ssyncset.done $0x0  }
0xa1: {  	[sflag:s23] =	ssyncadd.s32 s5;
	_ =	sdelay $0x1  }
0xa2: {  	s24 =	simm.s32 $0x1B8B  }
0xa3: {  	_ =	swait.ge [sflag:s24], $0x1  }
0xa4: {  	[sflag:s24] =	ssyncset.done $0x0  }
0xa5: {  	s25 =	simm.s32 $0x1B8E;
	[sflag:s24] =	ssyncadd.s32 $0xFFFFFFFF  }
0xa6: {  	s26 =	simm.s32 $execute0_lowered;
	[smem:$0x3FD2] =	sst s25  }
0xa7: {  	s5 =	sshll.u32 s26, $0x1;
	_ =	strace $0x80000046;
	[dreg:$0x1] =	wrdreg $0xFFFFFFFF  }
0xa8: {  	s28 =	simm.s32 $_size_execute0_lowered;
	s4 =	sadd.s32 s4, s5;
	[dreg:$0x0] =	wrdreg $0x0  }
0xa9: {  	s5 =	sshll.u32 s28, $0x1;
	[dreg:$0x2] =	wrdreg s4  }
0xaa: {  	[dreg:$0x3] =	wrdreg s5  }
0xab: {  	[dreg:$0x4] =	wrdreg $0xC0  }
0xac: {  	_ =	task [dreg:s8], $0x5FFFF  }
0xad: {  	[dreg:$0x1] =	wrdreg $0xFFFFFFFF  }
0xae: {  	[dreg:$0x0] =	wrdreg $0x60  }
0xaf: {  	[dreg:$0x2] =	wrdreg s2  }
0xb0: {  	[dreg:$0x3] =	wrdreg s19  }
0xb1: {  	[dreg:$0x4] =	wrdreg $0x9  }
0xb2: {  	_ =	task.clear_ibuf [dreg:s8], $0x5FFFF;
	_ =	strace $0x90000046  }
0xb3: {  	s29 =	simm.s32 $0x9;
	_ =	strace $0x80000048  }
0xb4: {  	_ =	swait.ge [sflag:s29], $0x1  }
0xb5: {  	[sflag:s29] =	ssyncadd.s32 $0xFFFFFFFF  }
0xb6: {  	_ =	strace $0x90000048  }
0xb7: {  	_ =	sfence  }
0xb8: {  	s30 =	sld [smem:$0x0];
	_ =	sdelay $0x2  }
0xb9: {  	s31 =	sshll.u32 s1, $0xD;
	s1 =	sshrl.u32 s1, $0x2  }
0xba: {  	s3 =	sand.u32 $0x4000, s31;
	s1 =	sadd.s32 s1, s30  }
0xbb: {  	s0 =	sor.u32 s3, s0;
	s1 =	sshll.u32 s1, $0x11  }
0xbc: {  	s0 =	sor.u32 s1, s0  }
0xbd: {  	s0 =	sadd.s32 $0x8F2B, s0  }
0xbe: {  	[sflag:s0] =	ssyncadd.remote.s32 $0x1  }
0xbf: {  	_ =	sfence.sel $0xFFFF  }
0xc0: {  	[dreg:$0x0] =	wrdreg $0xFFFFFFFF;
	(pc) =	sbr.abs _section_cstart, $3  }
0xc1: {  	[dreg:$0x1] =	wrdreg $0xFFFFFFFF  }
0xc2: {  	_ =	task.clear_ibuf [dreg:s8], $0x2FFFF;
	_ =	strace $0x9FFFFFFF  }
0xc3: {  	(tm) =	ssettm $0x7FFFFFFF  }
tec
execute0_lowered:
.L_overlay_start_1:
0x0: {  	(tag) =	ssettag $0x1  }
0x1: {  	s1 =	srdreg.scid;
	s0 =	stileid.u32  }
0x2: {  	s18 =	sand.u32 $0x1, s1;
	s31 =	sshll.u32 s0, $0x1  }
0x3: {  	s12 =	rddreg [dreg:$0x0];
	s13 =	sor.u32 s18, s31  }
0x4: {  	s16 =	rddreg [dreg:$0x1];
	s3 =	smul.u32 $0x9C00, s13  }
0x5: {  	s2 =	simm.s32 $0x0;
	s1 =	rddreg [dreg:$0x2];
	s9 =	smul.u32 $0x1380, s13  }
0x6: {  	[smem:$0x7FF] =	sst s2;
	s5 =	sshrl.u32 s3, $0x3  }
0x7: {  	_ =	strace $0x80000047;
	s3 =	sadd.s32 s12, s9;
	s10 =	sadd.s32 $0x680, s5  }
0x8: {  	[tilespmem:s2], [sflag:$0x1] =	stream.linear.gather [hbm4b:s3+s2], $0x3400, $0x38;
	[tilespmem:$0xA400] =	vst v63  }
0x9: {  	s11 =	sadd.s32 $0xD00, s5;
	s5 =	simm.s32 $0x3400;
	s4 =	sadd.s32 s12, s10  }
0xa: {  	[tilespmem:s5], [sflag:$0x1] =	stream.linear.gather [hbm4b:s4+s2], $0x3400, $0x38;
	[tilespmem:$0xA400] =	vst v63  }
0xb: {  	s7 =	simm.s32 $0x6800;
	s8 =	simm.s32 $0x1;
	s6 =	sadd.s32 s12, s11  }
0xc: {  	[tilespmem:s7], [sflag:$0x1] =	stream.linear.gather [hbm4b:s6+s2], $0x3400, $0x38;
	[tilespmem:$0xA400] =	vst v63  }
0xd: {  	_ =	swait.ge [sflag:s8], $0x3400  }
0xe: {  	[sflag:s8] =	ssyncset.done $0x0  }
0xf: {  	s9 =	sadd.s32 s16, s9;
	[sflag:s8] =	ssyncadd.s32 $0xFFFFCC00  }
0x10: {  	[hbm4b:s9+s2] =	stream.linear.scatter [tilespmem:s2], [sflag:$0x2], $0x3400, $0x38;
	[tilespmem:$0xA400] =	vst v63  }
0x11: {  	_ =	swait.ge [sflag:s8], $0x3400  }
0x12: {  	[sflag:s8] =	ssyncset.done $0x0  }
0x13: {  	s10 =	sadd.s32 s16, s10;
	[sflag:s8] =	ssyncadd.s32 $0xFFFFCC00  }
0x14: {  	[hbm4b:s10+s2] =	stream.linear.scatter [tilespmem:s5], [sflag:$0x2], $0x3400, $0x38;
	[tilespmem:$0xA400] =	vst v63  }
0x15: {  	_ =	swait.ge [sflag:s8], $0x3400  }
0x16: {  	p0 =	sne.s32 s13, $0x0;
	[sflag:s8] =	ssyncset.done $0x0  }
0x17: {  	s13 =	simm.s32 @!p0 $0x0;
	s11 =	sadd.s32 s16, s11;
	[sflag:s8] =	ssyncadd.s32 $0xFFFFCC00  }
0x18: {  	[hbm4b:s11+s2] =	stream.linear.scatter [tilespmem:s7], [sflag:$0x2], $0x3400, $0x38;
	[tilespmem:$0xA400] =	vst v63  }
0x19: {  	s14 =	simm.s32 @!p0 $0x9C00;
	s15 =	simm.s32 @!p0 $0x3;
	s12 =	sadd.s32 $0x27000, s12  }
0x1a: {  	[tilespmem:s14], [sflag:$0x3] =	stream.linear.gather @!p0 [hbm4b:s12+s13], $0x800, $0x38;
	[tilespmem:$0xA400] =	vst v63  }
0x1b: {  	_ =	swait.ge @!p0 [sflag:s15], $0x800  }
0x1c: {  	[sflag:s15] =	ssyncset.done @!p0 $0x0  }
0x1d: {  	s16 =	sadd.s32 $0x27000, s16;
	[sflag:s15] =	ssyncadd.s32 @!p0 $0xFFFFF800  }
0x1e: {  	[hbm4b:s16+s13] =	stream.linear.scatter @!p0 [tilespmem:s14], [sflag:$0x3], $0x800, $0x38;
	[tilespmem:$0xA400] =	vst v63  }
0x1f: {  	s18 =	ssub.s32 $0x2, s18;
	_ =	swait.ge @!p0 [sflag:s15], $0x800  }
0x20: {  	s19 =	sshrl.u32 s18, $0x1;
	[sflag:s15] =	ssyncset.done @!p0 $0x0  }
0x21: {  	s17 =	simm.s32 $0x2;
	s18 =	ssub.s32 s18, s19;
	[sflag:s15] =	ssyncadd.s32 @!p0 $0xFFFFF800  }
0x22: {  	s18 =	smax.u32 s18, $0x1;
	_ =	swait.ge [sflag:s17], $0x3400  }
0x23: {  	s18 =	sadd.s32 $0xFFFFFFFF, s18;
	[sflag:s17] =	ssyncset.done $0x0  }
0x24: {  	p1 =	sne.s32 s18, $0x0;
	[sflag:s17] =	ssyncadd.s32 $0xFFFFCC00  }
.Ltmp0:
0x25: {  	_ =	swait.ge [sflag:s17], $0x3400;
	(pc) =	sbr.rel @!p1 .LBB2_2-.Ltmp0, $4  }
0x26: {  	[sflag:s17] =	ssyncset.done $0x0  }
0x27: {  	[sflag:s17] =	ssyncadd.s32 $0xFFFFCC00  }
0x28: {  	_ =	swait.ge [sflag:s17], $0x3400  }
0x29: {  	[sflag:s17] =	ssyncset.done $0x0  }
.LBB2_1:
0x2a: {  	s18 =	sadd.s32 $0xFFFFFFFF, s18;
	[sflag:s17] =	ssyncadd.s32 $0xFFFFCC00  }
0x2b: {  	[tilespmem:s2], [sflag:$0x1] =	stream.linear.gather [hbm4b:s3+s2], $0x3400, $0x38;
	[tilespmem:$0xA400] =	vst v63  }
0x2c: {  	p1 =	sne.s32 s18, $0x0  }
0x2d: {  	[tilespmem:s5], [sflag:$0x1] =	stream.linear.gather [hbm4b:s4+s2], $0x3400, $0x38;
	[tilespmem:$0xA400] =	vst v63  }
0x2e: {  	_ = 	snop  }
0x2f: {  	[tilespmem:s7], [sflag:$0x1] =	stream.linear.gather [hbm4b:s6+s2], $0x3400, $0x38;
	[tilespmem:$0xA400] =	vst v63  }
0x30: {  	_ =	swait.ge [sflag:s8], $0x3400  }
0x31: {  	[sflag:s8] =	ssyncset.done $0x0  }
0x32: {  	[sflag:s8] =	ssyncadd.s32 $0xFFFFCC00  }
0x33: {  	[hbm4b:s9+s2] =	stream.linear.scatter [tilespmem:s2], [sflag:$0x2], $0x3400, $0x38;
	[tilespmem:$0xA400] =	vst v63  }
0x34: {  	_ =	swait.ge [sflag:s8], $0x3400  }
0x35: {  	[sflag:s8] =	ssyncset.done $0x0  }
0x36: {  	[sflag:s8] =	ssyncadd.s32 $0xFFFFCC00  }
0x37: {  	[hbm4b:s10+s2] =	stream.linear.scatter [tilespmem:s5], [sflag:$0x2], $0x3400, $0x38;
	[tilespmem:$0xA400] =	vst v63  }
0x38: {  	_ =	swait.ge [sflag:s8], $0x3400  }
0x39: {  	[sflag:s8] =	ssyncset.done $0x0  }
0x3a: {  	[sflag:s8] =	ssyncadd.s32 $0xFFFFCC00  }
0x3b: {  	[hbm4b:s11+s2] =	stream.linear.scatter [tilespmem:s7], [sflag:$0x2], $0x3400, $0x38;
	[tilespmem:$0xA400] =	vst v63  }
0x3c: {  	_ = 	snop  }
0x3d: {  	[tilespmem:s14], [sflag:$0x3] =	stream.linear.gather @!p0 [hbm4b:s12+s13], $0x800, $0x38;
	[tilespmem:$0xA400] =	vst v63  }
0x3e: {  	_ =	swait.ge @!p0 [sflag:s15], $0x800  }
0x3f: {  	[sflag:s15] =	ssyncset.done @!p0 $0x0  }
0x40: {  	[sflag:s15] =	ssyncadd.s32 @!p0 $0xFFFFF800  }
0x41: {  	[hbm4b:s16+s13] =	stream.linear.scatter @!p0 [tilespmem:s14], [sflag:$0x3], $0x800, $0x38;
	[tilespmem:$0xA400] =	vst v63  }
0x42: {  	_ =	swait.ge @!p0 [sflag:s15], $0x800  }
0x43: {  	[sflag:s15] =	ssyncset.done @!p0 $0x0  }
0x44: {  	[sflag:s15] =	ssyncadd.s32 @!p0 $0xFFFFF800  }
0x45: {  	_ =	swait.ge [sflag:s17], $0x3400  }
0x46: {  	[sflag:s17] =	ssyncset.done $0x0  }
0x47: {  	[sflag:s17] =	ssyncadd.s32 $0xFFFFCC00  }
.Ltmp1:
0x48: {  	_ =	swait.ge [sflag:s17], $0x3400;
	(pc) =	sbr.rel @p1 .LBB2_1-.Ltmp1, $4  }
0x49: {  	[sflag:s17] =	ssyncset.done $0x0  }
0x4a: {  	[sflag:s17] =	ssyncadd.s32 $0xFFFFCC00  }
0x4b: {  	_ =	swait.ge [sflag:s17], $0x3400  }
0x4c: {  	[sflag:s17] =	ssyncset.done $0x0  }
.LBB2_2:
0x4d: {  	[sflag:s17] =	ssyncadd.s32 $0xFFFFCC00  }
0x4e: {  	_ =	sfence.sel $0x180000  }
0x4f: {  	[bflag:$0x0] =	sbarrier.arrive $0xFFFF  }
0x50: {  	p0 =	sne.s32 s0, $0x0;
	_ =	strace $0x90000047  }
0x51: {  	s0 =	sadd.s32 @!p0 $0x100000, s1;
	[bflag:$0x2] =	sbarrier.arrive $0xFFFF  }
0x52: {  	[sflag:s0] =	ssyncadd.tile.s32 @!p0 $0x1;
	_ =	shalt  }
.Lfunc_end2:
_tile_overlayer_lowered:
.L_overlay_start_2:
0x53: {  	(tag) =	ssettag $0x2  }
0x54: {  	s0 =	rddreg [dreg:$0x0];
	s2 =	stileid.u32  }
0x55: {  	s1 =	rddreg [dreg:$0x1];
	p0 =	sne.s32 s2, $0x0  }
0x56: {  	s3 =	rddreg [dreg:$0x2];
	[bflag:$0x3] =	sbarrier.arrive $0xFFFF;
	s2 =	simm.s32 @!p0 $0x1C03  }
0x57: {  	[timem:s3], [sflag:s2] =	dma.local @!p0 [hbm:s0], s1  }
0x58: {  	s0 =	simm.s32 @!p0 $0x3  }
0x59: {  	_ =	swait.ge @!p0 [sflag:s0], s1  }
0x5a: {  	s1 =	ssub.s32 @!p0 $0x0, s1;
	[sflag:s0] =	ssyncset.done @!p0 $0x0  }
0x5b: {  	[sflag:s0] =	ssyncadd.s32 @!p0 s1  }
0x5c: {  	[bflag:$0x3] =	sbarrier.arrive $0xFFFF  }
0x5d: {  	_ =	shalt  }

</sc_bundles>
